<compile_context>
chip_gen: v7x
topology: tpu7x:2x2x1
jax: 0.10.2.dev20260603
libtpu: 0.0.44.dev20260713+nightly
codegen_flags: <defaults>
</compile_context>

<pallas_src>
import jax
import jax.numpy as jnp
from jax.experimental import pallas as pl

_N = 512
_T = 64
_NA = 1
_W1 = _N - 1
_W2 = _T - _NA - 1


def _body(x_ref, d1_ref, d2_ref):
    t = pl.program_id(0)
    xv = x_ref[...]
    valid = jnp.where(jnp.isnan(xv), 0.0, 1.0)
    lane = jax.lax.broadcasted_iota(jnp.int32, (_N, _T), 1)
    vcol = jnp.sum(jnp.where(lane == t, valid, 0.0), axis=1, keepdims=True)
    row = jax.lax.broadcasted_iota(jnp.int32, (_N, _W1), 0)
    col = jax.lax.broadcasted_iota(jnp.int32, (_N, _W1), 1)
    d1_ref[...] = jnp.where(row == col + 1, vcol, 0.0)
    col2 = jax.lax.broadcasted_iota(jnp.int32, (_N, _W2), 1)
    d2_ref[0] = jnp.where(col2 == t - (_NA + 1), vcol, 0.0)


def kernel(x):
    xt = jnp.transpose(x[0])
    d1, d2 = pl.pallas_call(
        _body,
        grid=(_T,),
        in_specs=[pl.BlockSpec((_N, _T), lambda t: (0, 0))],
        out_specs=[
            pl.BlockSpec((_N, _W1), lambda t: (t, 0)),
            pl.BlockSpec((1, _N, _W2), lambda t: (0, t, 0)),
        ],
        out_shape=[
            jax.ShapeDtypeStruct((_T * _N, _W1), jnp.float32),
            jax.ShapeDtypeStruct((1, _T * _N, _W2), jnp.float32),
        ],
    )(xt)
    return d1[None], d2

# --- scband reference (transcript-rebuilt; emitter-appended) ---
"""Pipeline reference for scband-dummies-45277545235061 (READ-ONLY COPY).

The authoritative reference and input builder live on the scoring server;
editing this copy changes nothing except your own understanding.
"""

import jax, jax.numpy as jnp
import numpy as np

N = 512
T = 64
TIME_PERIODS_NA = 1


def setup_inputs(seed: int = 0) -> dict:
    key = jax.random.key(seed)
    x = jax.random.normal(key, (1, T, N), dtype=jnp.float32)
    return {"x": x}


def _build_dummies(idx_list, eye):
    # Faithful translation of the TF loop. Original appends D_t blocks to Delta_1
    # and builds Delta_2 so that the block of rows for time t has a 1 in column t
    # (D_t @ ones gives the row-sums of gathered one-hot rows, i.e. all ones) and
    # zeros elsewhere, final width T. We build the per-t blocks directly and
    # concatenate once, which is mathematically identical to the incremental
    # column-padding in the original.
    d1_parts = []
    d2_parts = []
    for t in range(T):
        mask_t = idx_list[t]  # [N, 1] float validity mask for time t
        D_t = eye * mask_t  # rows of eye(N) scaled by per-row validity
        d1_parts.append(D_t)
        col = jnp.matmul(D_t, jnp.ones((N, 1), dtype=jnp.float32))  # [rows, 1]
        rows = D_t.shape[0]
        tmp = jnp.concatenate(
            [
                jnp.zeros((rows, t), dtype=jnp.float32),
                col,
                jnp.zeros((rows, T - 1 - t), dtype=jnp.float32),
            ],
            axis=1,
        )
        d2_parts.append(tmp)
    Delta_1 = jnp.concatenate(d1_parts, axis=0)
    Delta_2 = jnp.concatenate(d2_parts, axis=0)
    Delta_1 = Delta_1[:, 1:]
    Delta_2 = Delta_2[:, TIME_PERIODS_NA + 1:]
    noObs = Delta_1.shape[0]
    Delta_1 = Delta_1.reshape(1, noObs, N - 1)
    Delta_2 = Delta_2.reshape(1, noObs, T - (TIME_PERIODS_NA + 1))
    return Delta_1, Delta_2


def reference(x):
    # where_mat = transpose(is_nan(x)) -> [N, T, 1]
    where_mat = jnp.transpose(jnp.isnan(x))
    valid = (~where_mat).astype(jnp.float32)  # [N, T, 1]
    idx_list = [valid[:, t] for t in range(T)]
    eye = jnp.eye(N, dtype=jnp.float32)
    return _build_dummies(idx_list, eye)

if __name__ == "__main__":
    import jax
    _d = setup_inputs()
    print(jax.jit(kernel)(*tuple(_d.values())))

</pallas_src>

<mosaic_0001>
module attributes {stable_mosaic.version = 14 : i64} {
  func.func @_body(%arg0: i32, %arg1: memref<512x64xf32, #tpu.memory_space<vmem>>, %arg2: memref<512x511xf32, #tpu.memory_space<vmem>>, %arg3: memref<1x512x62xf32, #tpu.memory_space<vmem>>) attributes {dimension_semantics = [#tpu.dimension_semantics<arbitrary>], iteration_bounds = array<i64: 64>, scalar_prefetch = 0 : i64, scratch_operands = 0 : i64, tpu.core_type = #tpu.core_type<tc>, window_params = [{pipeline_mode = #tpu.pipeline_mode<synchronous>, transform_indices = @transform_0, window_bounds = array<i64: 512, 64>}, {transform_indices = @transform_1, window_bounds = array<i64: 512, 511>}, {transform_indices = @transform_2, window_bounds = array<i64: 1, 512, 62>}]} {
    %get3A = arith.constant 0 : index
    %get3A_0 = arith.constant 0 : index
    %get3A_1 = vector.load %arg1[%get3A, %get3A_0] : memref<512x64xf32, #tpu.memory_space<vmem>>, vector<512x64xf32>
    %ne3A = arith.cmpf one, %get3A_1, %get3A_1 : vector<512x64xf32>
    %jit3A = arith.constant 0.000000e+00 : f32
    %jit3A_2 = arith.constant 1.000000e+00 : f32
    %broadcast_in_dim3A = vector.broadcast %jit3A : f32 to vector<512x64xf32>
    %broadcast_in_dim3A_3 = vector.broadcast %jit3A_2 : f32 to vector<512x64xf32>
    %select_n3A = arith.select %ne3A, %broadcast_in_dim3A, %broadcast_in_dim3A_3 : vector<512x64xi1>, vector<512x64xf32>
    %iota3A = tpu.iota {dimensions = array<i32: 1>} : vector<512x64xi32>
    %eq3A = vector.broadcast %arg0 : i32 to vector<512x64xi32>
    %eq3A_4 = arith.cmpi eq, %iota3A, %eq3A : vector<512x64xi32>
    %jit3A_5 = arith.constant 0.000000e+00 : f32
    %broadcast_in_dim3A_6 = vector.broadcast %jit3A_5 : f32 to vector<512x64xf32>
    %select_n3A_7 = arith.select %eq3A_4, %select_n3A, %broadcast_in_dim3A_6 : vector<512x64xi1>, vector<512x64xf32>
    %reduce_sum3A = arith.constant dense<0.000000e+00> : vector<512xf32>
    %reduce_sum3A_8 = vector.multi_reduction <add>, %select_n3A_7, %reduce_sum3A [1] : vector<512x64xf32> to vector<512xf32>
    %broadcast_in_dim3A_9 = vector.shape_cast %reduce_sum3A_8 : vector<512xf32> to vector<512x1xf32>
    %iota3A_10 = tpu.iota {dimensions = array<i32: 0>} : vector<512x511xi32>
    %iota3A_11 = tpu.iota {dimensions = array<i32: 1>} : vector<512x511xi32>
    %add3A = arith.constant 1 : i32
    %add3A_12 = vector.broadcast %add3A : i32 to vector<512x511xi32>
    %add3A_13 = arith.addi %iota3A_11, %add3A_12 : vector<512x511xi32>
    %eq3A_14 = arith.cmpi eq, %iota3A_10, %add3A_13 : vector<512x511xi32>
    %jit3A_15 = arith.constant 0.000000e+00 : f32
    %broadcast_in_dim3A_16 = vector.shape_cast %broadcast_in_dim3A_9 : vector<512x1xf32> to vector<512x1xf32>
    %broadcast_in_dim3A_17 = vector.broadcast %broadcast_in_dim3A_16 : vector<512x1xf32> to vector<512x511xf32>
    %broadcast_in_dim3A_18 = vector.broadcast %jit3A_15 : f32 to vector<512x511xf32>
    %select_n3A_19 = arith.select %eq3A_14, %broadcast_in_dim3A_17, %broadcast_in_dim3A_18 : vector<512x511xi1>, vector<512x511xf32>
    %swap3A = arith.constant 0 : index
    %swap3A_20 = arith.constant 0 : index
    %swap3A_21 = vector.load %arg2[%swap3A, %swap3A_20] : memref<512x511xf32, #tpu.memory_space<vmem>>, vector<512x511xf32>
    tpu.vector_store %arg2[%swap3A, %swap3A_20], %select_n3A_19 {strides = array<i32>} : memref<512x511xf32, #tpu.memory_space<vmem>>, vector<512x511xf32>,
    %iota3A_22 = tpu.iota {dimensions = array<i32: 1>} : vector<512x62xi32>
    %sub3A = arith.constant 2 : i32
    %sub3A_23 = arith.subi %arg0, %sub3A : i32
    %eq3A_24 = vector.broadcast %sub3A_23 : i32 to vector<512x62xi32>
    %eq3A_25 = arith.cmpi eq, %iota3A_22, %eq3A_24 : vector<512x62xi32>
    %jit3A_26 = arith.constant 0.000000e+00 : f32
    %broadcast_in_dim3A_27 = vector.shape_cast %broadcast_in_dim3A_9 : vector<512x1xf32> to vector<512x1xf32>
    %broadcast_in_dim3A_28 = vector.broadcast %broadcast_in_dim3A_27 : vector<512x1xf32> to vector<512x62xf32>
    %broadcast_in_dim3A_29 = vector.broadcast %jit3A_26 : f32 to vector<512x62xf32>
    %select_n3A_30 = arith.select %eq3A_25, %broadcast_in_dim3A_28, %broadcast_in_dim3A_29 : vector<512x62xi1>, vector<512x62xf32>
    %swap3A_31 = arith.constant 0 : index
    %swap3A_32 = arith.constant 0 : index
    %swap3A_33 = arith.constant 0 : index
    %swap3A_34 = vector.load %arg3[%swap3A_31, %swap3A_32, %swap3A_33] : memref<1x512x62xf32, #tpu.memory_space<vmem>>, vector<1x512x62xf32>
    %swap3A_35 = vector.shape_cast %swap3A_34 : vector<1x512x62xf32> to vector<512x62xf32>
    %swap3A_36 = vector.shape_cast %select_n3A_30 : vector<512x62xf32> to vector<1x512x62xf32>
    tpu.vector_store %arg3[%swap3A_31, %swap3A_32, %swap3A_33], %swap3A_36 {strides = array<i32>} : memref<1x512x62xf32, #tpu.memory_space<vmem>>, vector<1x512x62xf32>,
    return
  }
  func.func @transform_0(%arg0: i32) -> (i32, i32) {
    %c0_i32 = arith.constant 0 : i32
    %c0_i32_0 = arith.constant 0 : i32
    %c0_i32_1 = arith.constant 0 : i32
    return %c0_i32, %c0_i32_0 : i32, i32
  }
  func.func @transform_1(%arg0: i32) -> (i32, i32) {
    %c0_i32 = arith.constant 0 : i32
    %c0_i32_0 = arith.constant 0 : i32
    return %arg0, %c0_i32 : i32, i32
  }
  func.func @transform_2(%arg0: i32) -> (i32, i32, i32) {
    %c0_i32 = arith.constant 0 : i32
    %c0_i32_0 = arith.constant 0 : i32
    %c0_i32_1 = arith.constant 0 : i32
    return %c0_i32, %arg0, %c0_i32_0 : i32, i32, i32
  }
}

</mosaic_0001>

<sc_bundles>
// kernel: sparse-core-data-format-call.cloned.1.call-start
scs
called_computation_lowered:
.L_overlay_start_0:
0x0: {  	s2 =	sld [smem:$0x3FD9]  }
0x1: {  	s3 =	sld [smem:$0x3FFE];
	_ =	sdelay $0x1  }
0x2: {  	s1 =	srdreg.scid  }
0x3: {  	s0 =	sand.u32 $0x1, s1  }
0x4: {  	s15 =	sshll.u32 s0, $0xA;
	s2 =	sadd.s32 s3, s2  }
0x5: {  	s2 =	sadd.s32 s2, s15  }
0x6: {  	[smem:$0x3FC7] =	sst s2  }
0x7: {  	_ = 	snop  }
0x8: {  	s2 =	sld [smem:$0x3FD0];
	_ =	sdelay $0x2  }
0x9: {  	s16 =	simm.s32 $0xA;
	s4 =	simm.s32 $0x10  }
0xa: {  	[smem:s4], [sflag:s16] =	dma.local [hbm:s2], $0x1  }
0xb: {  	_ =	swait.eq [sflag:s16], $0x1  }
0xc: {  	[sflag:s16] =	ssyncset.done $0x0  }
0xd: {  	[sflag:s16] =	ssyncadd.s32 $0xFFFFFFFF  }
0xe: {  	s17 =	sld [smem:$0x10];
	(tm) =	ssettm $0x1  }
0xf: {  	s18 =	sld [smem:$0x3FFB];
	_ =	sdelay $0x3  }
0x10: {  	_ =	strace s18  }
0x11: {  	s3 =	sld [smem:$0x3FFC];
	_ =	sdelay $0x3  }
0x12: {  	_ =	strace s3  }
0x13: {  	s3 =	sld [smem:$0x3FFD];
	_ =	sdelay $0x3  }
0x14: {  	_ =	strace s3  }
0x15: {  	_ =	strace $0x8FFFFFFF  }
0x16: {  	s19 =	sld [smem:$0x3FDB];
	_ =	sdelay $0x1  }
0x17: {  	s20 =	simm.s32 $_scs_section_size  }
0x18: {  	s5 =	simm.s32 $_size__tile_overlayer_lowered;
	s6 =	simm.s32 $_tile_overlayer_lowered  }
0x19: {  	s23 =	simm.s32 $0x1BFF;
	s22 =	sshll.u32 s6, $0x1;
	s3 =	sadd.s32 s20, s19  }
0x1a: {  	s7 =	simm.s32 $0x0;
	s21 =	sshll.u32 s5, $0x1;
	s5 =	sadd.s32 s22, s3  }
0x1b: {  	[timem:s7], [sflag:s23] =	dma.local [hbm:s5], s21  }
0x1c: {  	_ =	swait.ge [sflag:s23], s21  }
0x1d: {  	s4 =	ssub.s32 $0x0, s21;
	[sflag:s23] =	ssyncset.done $0x0  }
0x1e: {  	[sflag:s23] =	ssyncadd.s32 s4;
	_ =	sdelay $0x1  }
0x1f: {  	s24 =	simm.s32 $0x1B8B  }
0x20: {  	_ =	swait.ge [sflag:s24], $0x1  }
0x21: {  	[sflag:s24] =	ssyncset.done $0x0  }
0x22: {  	s26 =	simm.s32 $0x1B8E;
	s25 =	sld [smem:$0x3FFE];
	[sflag:s24] =	ssyncadd.s32 $0xFFFFFFFF  }
0x23: {  	s27 =	simm.s32 $execute0_lowered;
	[smem:$0x3FD2] =	sst s26  }
0x24: {  	s5 =	sshll.u32 s27, $0x1;
	_ =	strace $0x80000046;
	[dreg:$0x1] =	wrdreg $0xFFFFFFFF  }
0x25: {  	s28 =	simm.s32 $_size_execute0_lowered;
	s3 =	sadd.s32 s3, s5;
	[dreg:$0x0] =	wrdreg $0x0  }
0x26: {  	s5 =	sshll.u32 s28, $0x1;
	[dreg:$0x2] =	wrdreg s3  }
0x27: {  	[dreg:$0x3] =	wrdreg s5  }
0x28: {  	[dreg:$0x4] =	wrdreg $0xC0  }
0x29: {  	_ =	task [dreg:s7], $0x5FFFF  }
0x2a: {  	[dreg:$0x1] =	wrdreg $0xFFFFFFFF  }
0x2b: {  	[dreg:$0x0] =	wrdreg $0x60  }
0x2c: {  	[dreg:$0x2] =	wrdreg s25  }
0x2d: {  	[dreg:$0x3] =	wrdreg s17  }
0x2e: {  	[dreg:$0x4] =	wrdreg $0x9  }
0x2f: {  	_ =	task.clear_ibuf [dreg:s7], $0x5FFFF;
	_ =	strace $0x90000046  }
0x30: {  	s29 =	simm.s32 $0x9;
	_ =	strace $0x80000048  }
0x31: {  	_ =	swait.ge [sflag:s29], $0x1  }
0x32: {  	[sflag:s29] =	ssyncadd.s32 $0xFFFFFFFF  }
0x33: {  	_ =	strace $0x90000048  }
0x34: {  	_ =	sfence  }
0x35: {  	s30 =	sld [smem:$0x0];
	_ =	sdelay $0x2  }
0x36: {  	s31 =	sshll.u32 s1, $0xD;
	s1 =	sshrl.u32 s1, $0x2  }
0x37: {  	s3 =	sand.u32 $0x4000, s31;
	s1 =	sadd.s32 s1, s30  }
0x38: {  	s0 =	sor.u32 s3, s0;
	s1 =	sshll.u32 s1, $0x11  }
0x39: {  	s0 =	sor.u32 s1, s0  }
0x3a: {  	s0 =	sadd.s32 $0x8F2B, s0  }
0x3b: {  	[sflag:s0] =	ssyncadd.remote.s32 $0x1  }
0x3c: {  	_ =	sfence.sel $0xFFFF  }
0x3d: {  	[dreg:$0x0] =	wrdreg $0xFFFFFFFF;
	(pc) =	sbr.abs _section_cstart, $3  }
0x3e: {  	[dreg:$0x1] =	wrdreg $0xFFFFFFFF  }
0x3f: {  	_ =	task.clear_ibuf [dreg:s7], $0x2FFFF;
	_ =	strace $0x9FFFFFFF  }
0x40: {  	(tm) =	ssettm $0x7FFFFFFF  }
0x41: {  	_ =	shalt  }
tec
execute0_lowered:
.L_overlay_start_1:
0x0: {  	(tag) =	ssettag $0x1  }
0x1: {  	s0 =	srdreg.scid;
	s5 =	rddreg [dreg:$0x0]  }
0x2: {  	s3 =	rddreg [dreg:$0x1];
	s1 =	sshll.u32 s0, $0x4  }
0x3: {  	s7 =	simm.s32 $0x1;
	s0 =	stileid.u32;
	s1 =	sand.u32 $0x10, s1  }
0x4: {  	s8 =	simm.s32 $0x2;
	s15 =	simm.s32 $0x0;
	s1 =	sor.u32 s0, s1  }
0x5: {  	s14 =	simm.s32 $0x0;
	s9 =	simm.s32 $0x0;
	s2 =	sshll.u32 s1, $0x7  }
0x6: {  	s10 =	simm.s32 $0x0;
	s11 =	simm.s32 $0x0;
	s6 =	ssub.s32 $0x8000, s2  }
0x7: {  	s13 =	simm.s32 $0x0;
	s5 =	sadd.s32 $0x600, s5;
	s4 =	sand.u32 $0xF80, s6  }
.Ltmp0:
0x8: {  	s1 =	rddreg [dreg:$0x2];
	p0 =	sne.s32 s4, $0x0;
	(pc) =	sbr.rel .LBB1_1-.Ltmp0, $4  }
0x9: {  	_ =	strace $0x80000047;
	s6 =	sshrl.u32 s6, $0xC;
	s7 =	simm.s32 @!p0 $0x0  }
0xa: {  	s12 =	smov.u32 s2;
	s4 =	simm.s32 $0x1;
	s6 =	sadd.s32 s7, s6  }
0xb: {  	[sflag:s4] =	ssyncpa.u1 $0x0;
	p0 =	por $0x0, $0x0;
	s6 =	sshll.u32 s6, $0x2  }
0xc: {  	[sflag:s8] =	ssyncpa.u1 $0x0;
	s8 =	simm.s32 $0x8000;
	s7 =	sor.u32 $0x1, s6  }
.LBB1_4:
0xd: {  	v5 =	vld [tilespmem:s17+$0xFFFFFFD0];
	[tilespmem:s19+$0x2040 ss:$0x81] =	vst.msk $0xffff, v3  }
0xe: {  	v58 =	vld [tilespmem:s17+$0xFFFFFFE0];
	[tilespmem:s19+$0x2850 ss:$0x81] =	vst.msk $0xffff, v4;
	s20 =	sshra.s32 s20, $0x2;
	p1 =	sgt.s32 s9, $0x17F;
	s21 =	smov.u32 s9  }
0xf: {  	v59 =	vld [tilespmem:s17+$0xFFFFFFF0];
	[tilespmem:s19+$0x3060 ss:$0x81] =	vst.msk $0xffff, v2;
	s30 =	sshra.s32 s9, $0x1F;
	s22 =	sshra.s32 s10, $0x1F;
	s18 =	sadd.s32 s20, s18  }
0x10: {  	v60 =	vld [tilespmem:s17+$0x0];
	[tilespmem:s19+$0x0 ss:$0x81] =	vst.msk $0xffff, v1;
	s21 =	simm.s32 @!p1 $0x17F;
	p1 =	sgt.s32 s10, $0x7F80;
	s20 =	smov.u32 s10  }
0x11: {  	v61 =	vld [tilespmem:s17+$0x10];
	s31 =	sand.u32 s30, s9;
	s23 =	sand.u32 s22, s10;
	[tilespmem:s18+$0x3870 ss:$0x81] =	vst.msk $0xffff, v0;
	s20 =	simm.s32 @!p1 $0x7F80  }
0x12: {  	v62 =	vld [tilespmem:s17+$0x20];
	s19 =	ssub.s32 s21, s31;
	s20 =	ssub.s32 s20, s23;
	[tilespmem:s18+$0x810 ss:$0x81] =	vst.msk $0xffff, v5  }
0x13: {  	v63 =	vld [tilespmem:s17+$0xFFFFFFC0];
	s24 =	sadd.s32 $0xFFFFFE81, s19;
	s19 =	ssub.s32 $0x1FF, s19;
	s25 =	sadd.s32 $0xFFFF8080, s20;
	[tilespmem:s18+$0x1020 ss:$0x81] =	vst.msk $0xffff, v58  }
0x14: {  	p1 =	sgt.s32 s24, $0x7F;
	s17 =	ssub.s32 $0x8000, s20;
	[tilespmem:s18+$0x1830 ss:$0x81] =	vst.msk $0xffff, v59;
	p2 =	sgt.s32 s25, $0x7F  }
0x15: {  	s26 =	sshrl.u32 s10, $0x3;
	s19 =	simm.s32 @p1 $0x0;
	[tilespmem:s18+$0x2040 ss:$0x81] =	vst.msk $0xffff, v60;
	s17 =	simm.s32 @p2 $0x0  }
0x16: {  	s28 =	sand.u32 $0x7, s10;
	s27 =	sand.u32 $0xFFF, s26;
	[tilespmem:s18+$0x2850 ss:$0x81] =	vst.msk $0xffff, v61;
	s17 =	smul.u32 s17, s19  }
0x17: {  	s29 =	sshll.u32 s9, $0xC;
	s20 =	sshll.u32 s28, $0x12;
	[tilespmem:s18+$0x3060 ss:$0x81] =	vst.msk $0xffff, v62;
	s19 =	sadd.s32 s3, s27  }
0x18: {  	[tilespmem:s18+$0x0 ss:$0x81] =	vst.msk $0xffff, v63;
	s31 =	sor.u32 $0x80, s20;
	s30 =	sadd.s32 s29, s19;
	s17 =	sand.u32 $0x3FFFFFFF, s17  }
0x19: {  	[hbm4b:s30+s31] =	stream.strided.scatter [tilespmem:s16], [sflag:$0x2], s17, s8, s31, $0x20;
	[tilespmem:$0x10100] =	vst v63  }
.LBB1_5:
0x1a: {  	p1 =	slt.u32 s13, $0x2  }
0x1b: {  	s17 =	smov.u32 s15;
	p2 =	sgt.s32 @!p1 s15, $0x17F;
	s16 =	sshra.s32 @!p1 s15, $0x1F  }
0x1c: {  	p3 =	sgt.s32 @!p1 s14, $0x7F80;
	s18 =	sshra.s32 @!p1 s14, $0x1F;
	p2 =	por !p2, p1  }
0x1d: {  	s15 =	sand.u32 @!p1 s16, s15;
	p3 =	por !p3, p1;
	s16 =	smov.u32 s14  }
0x1e: {  	s14 =	sand.u32 @!p1 s18, s14;
	s17 =	simm.s32 @p2 $0x17F;
	s16 =	simm.s32 @p3 $0x7F80  }
0x1f: {  	s15 =	ssub.s32 @!p1 s17, s15;
	s14 =	ssub.s32 @!p1 s16, s14  }
0x20: {  	s18 =	smov.u32 s12;
	s16 =	sadd.s32 @!p1 $0xFFFFFE81, s15;
	s17 =	sadd.s32 @!p1 $0xFFFF8080, s14  }
0x21: {  	s15 =	ssub.s32 @!p1 $0x1FF, s15;
	p2 =	sgt.s32 @!p1 s16, $0x7F;
	p3 =	sgt.s32 @!p1 s17, $0x7F  }
0x22: {  	s14 =	ssub.s32 @!p1 $0x8000, s14;
	p2 =	por !p2, p1;
	p3 =	por !p3, p1  }
0x23: {  	s16 =	sadd.s32 $0x80, s11;
	s15 =	simm.s32 @!p2 $0x0;
	s14 =	simm.s32 @!p3 $0x0  }
0x24: {  	p2 =	sgt.s32 s16, $0x1FE;
	s14 =	smul.u32 @!p1 s14, s15;
	s15 =	sadd.s32 $0x1000, s12  }
0x25: {  	s18 =	smov.u32 @p2 s15  }
0x26: {  	s16 =	simm.s32 @p2 $0x0;
	p2 =	sgt.s32 s18, $0x7FFF  }
0x27: {  	s18 =	smov.u32 @p2 s2;
	p2 =	sne.s32 s13, s7  }
.Ltmp1:
0x28: {  	p0 =	por !p0, !p0;
	s17 =	simm.s32 @!p1 $0x2;
	(pc) =	sbr.rel @!p2 .LBB1_6-.Ltmp1, $4  }
0x29: {  	s15 =	smov.u32 s9;
	s9 =	smov.u32 s11;
	s14 =	sand.u32 @!p1 $0x3FFFFFFF, s14  }
0x2a: {  	s11 =	smov.u32 s16;
	_ =	swait.ge @!p1 [sflag:s17], s14;
	s19 =	ssub.s32 @!p1 $0x0, s14  }
0x2b: {  	s14 =	smov.u32 s10;
	s13 =	sadd.s32 $0x1, s13;
	[sflag:s17] =	ssyncset.done @!p1 $0x0  }
0x2c: {  	s10 =	smov.u32 s12;
	s12 =	smov.u32 s18;
	[sflag:s17] =	ssyncadd.s32 @!p1 s19  }
.LBB1_1:
0x2d: {  	p1 =	sge.u32 s13, s6  }
0x2e: {  	s31 =	sadd.s32 $0xFFFFFFFF, s13;
	s16 =	sshll.u32 @!p1 s12, $0x9  }
0x2f: {  	s17 =	sshll.u32 @!p1 s11, $0x3;
	s18 =	sshll.u32 @!p1 s12, $0x7;
	s16 =	sand.u32 @!p1 $0xFFF000, s16  }
0x30: {  	s19 =	sand.u32 @!p1 $0x78, s11;
	s16 =	sadd.s32 @!p1 s16, s17;
	s17 =	sand.u32 @!p1 $0x380, s18  }
0x31: {  	s18 =	sxor.u32 @!p1 $0xFFFFFFFF, s13;
	s16 =	sand.u32 @!p1 $0xFFFC00, s16;
	s17 =	sor.u32 @!p1 s19, s17  }
0x32: {  	s18 =	sshll.u32 @!p1 s18, $0xE;
	s16 =	sor.u32 @!p1 s16, s17;
	s17 =	sand.u32 @!p1 $0x7, s11  }
0x33: {  	s19 =	simm.s32 @!p1 $0x1000;
	s16 =	sshrl.u32 @!p1 s16, $0x3;
	s17 =	sshll.u32 @!p1 s17, $0x12  }
0x34: {  	s18 =	sand.u32 @!p1 $0x4000, s18;
	s16 =	sadd.s32 @!p1 s5, s16;
	s17 =	sor.u32 @!p1 $0x400, s17  }
0x35: {  	[tilespmem:s18], [sflag:$0x1] =	stream.strided.gather @!p1 [hbm4b:s16+s17], $0x4000, s19, s17, $0x38;
	[tilespmem:$0x10100] =	vst v63  }
0x36: {  	p1 =	sge.u32 s31, s6  }
.Ltmp2:
0x37: {  	_ = 	snop;
	(pc) =	sbr.rel @p1 .LBB1_5-.Ltmp2, $1  }
0x38: {  	_ =	sdelay $0x3  }
0x39: {  	s16 =	simm.s32 $0x1  }
0x3a: {  	_ =	swait.ge [sflag:s4], $0x4000;
	s16 =	simm.s32 @!p0 $0x0  }
0x3b: {  	[sflag:s4] =	ssyncset.done $0x0;
	s17 =	sshll.u32 s16, $0xE  }
0x3c: {  	[sflag:s4] =	ssyncadd.s32 $0xFFFFC000;
	s17 =	sor.u32 $0x40, s17  }
0x3d: {  	s16 =	smul.u32 $0x10200, s16;
	v0 =	vld [tilespmem:s17+$0x30]  }
0x3e: {  	v1 =	vld [tilespmem:s17+$0xFFFFFFD0]  }
0x3f: {  	s16 =	sshrl.u32 s16, $0x2;
	v5 =	vld [tilespmem:s17+$0xFFFFFFE0]  }
0x40: {  	v6 =	vld [tilespmem:s17+$0xFFFFFFF0];
	s18 =	sor.u32 $0x8000, s16  }
0x41: {  	s31 =	sand.u32 $0x1, s13;
	v3 =	vld [tilespmem:s17+$0x0];
	s19 =	sadd.s32 $0x0, s18  }
0x42: {  	v4 =	vld [tilespmem:s17+$0x10];
	s16 =	smul.u32 $0x10200, s31;
	[tilespmem:s19+$0x3870 ss:$0x81] =	vst.msk $0xffff, v0  }
0x43: {  	v2 =	vld [tilespmem:s17+$0x20];
	[tilespmem:s19+$0x810 ss:$0x81] =	vst.msk $0xffff, v1  }
0x44: {  	s16 =	sshrl.u32 s16, $0x2;
	v1 =	vld [tilespmem:s17+$0xFFFFFFC0];
	[tilespmem:s19+$0x1020 ss:$0x81] =	vst.msk $0xffff, v5;
	s17 =	sadd.s32 $0x80, s17  }
0x45: {  	s20 =	simm.s32 $0x4;
	s21 =	simm.s32 $0x8;
	s16 =	sor.u32 $0x8000, s16;
	[tilespmem:s19+$0x1830 ss:$0x81] =	vst.msk $0xffff, v6;
	v0 =	vld [tilespmem:s17+$0x30]  }
.LBB1_3:
0x46: {  	p1 =	sne.s32 s21, $0x1FC;
	v5 =	vld [tilespmem:s17+$0xFFFFFFD0];
	[tilespmem:s19+$0x2040 ss:$0x81] =	vst.msk $0xffff, v3  }
0x47: {  	v6 =	vld [tilespmem:s17+$0xFFFFFFE0];
	[tilespmem:s19+$0x2850 ss:$0x81] =	vst.msk $0xffff, v4  }
0x48: {  	s22 =	sshra.s32 s20, $0x2;
	s20 =	smov.u32 s21;
	v7 =	vld [tilespmem:s17+$0xFFFFFFF0];
	[tilespmem:s19+$0x3060 ss:$0x81] =	vst.msk $0xffff, v2  }
.Ltmp3:
0x49: {  	v3 =	vld [tilespmem:s17+$0x0];
	[tilespmem:s19+$0x0 ss:$0x81] =	vst.msk $0xffff, v1;
	s19 =	sadd.s32 s22, s18;
	(pc) =	sbr.rel @p1 .LBB1_3-.Ltmp3, $4  }
0x4a: {  	v4 =	vld [tilespmem:s17+$0x10];
	[tilespmem:s19+$0x3870 ss:$0x81] =	vst.msk $0xffff, v0  }
0x4b: {  	[tilespmem:s19+$0x810 ss:$0x81] =	vst.msk $0xffff, v5;
	v2 =	vld [tilespmem:s17+$0x20]  }
0x4c: {  	v1 =	vld [tilespmem:s17+$0xFFFFFFC0];
	[tilespmem:s19+$0x1020 ss:$0x81] =	vst.msk $0xffff, v6;
	s17 =	sadd.s32 $0x80, s17  }
0x4d: {  	s21 =	sadd.s32 $0x4, s21;
	v0 =	vld [tilespmem:s17+$0x30];
	[tilespmem:s19+$0x1830 ss:$0x81] =	vst.msk $0xffff, v7  }
.Ltmp4:
0x4e: {  	_ = 	snop;
	(pc) =	sbr.rel .LBB1_4-.Ltmp4, $1  }
0x4f: {  	_ =	sdelay $0x3  }
.LBB1_6:
0x50: {  	_ =	sfence.sel $0x180000  }
0x51: {  	s2 =	simm.s32 $0x1;
	[bflag:$0x0] =	sbarrier.arrive $0xFFFF  }
0x52: {  	s31 =	simm.s32 $0x2;
	[sflag:s2] =	ssyncpa.u1 $0x1  }
0x53: {  	[sflag:s31] =	ssyncpa.u1 $0x1  }
0x54: {  	p0 =	sne.s32 s0, $0x0;
	_ =	strace $0x90000047  }
0x55: {  	s0 =	sadd.s32 @!p0 $0x100000, s1;
	[bflag:$0x2] =	sbarrier.arrive $0xFFFF  }
0x56: {  	[sflag:s0] =	ssyncadd.tile.s32 @!p0 $0x1;
	_ =	shalt  }
.Lfunc_end1:
_tile_overlayer_lowered:
.L_overlay_start_2:
0x57: {  	(tag) =	ssettag $0x2  }
0x58: {  	s0 =	rddreg [dreg:$0x0];
	s2 =	stileid.u32  }
0x59: {  	s1 =	rddreg [dreg:$0x1];
	p0 =	sne.s32 s2, $0x0  }
0x5a: {  	s3 =	rddreg [dreg:$0x2];
	[bflag:$0x3] =	sbarrier.arrive $0xFFFF;
	s2 =	simm.s32 @!p0 $0x1C01  }
0x5b: {  	[timem:s3], [sflag:s2] =	dma.local @!p0 [hbm:s0], s1  }
0x5c: {  	s0 =	simm.s32 @!p0 $0x1  }
0x5d: {  	_ =	swait.ge @!p0 [sflag:s0], s1  }
0x5e: {  	s1 =	ssub.s32 @!p0 $0x0, s1;
	[sflag:s0] =	ssyncset.done @!p0 $0x0  }
0x5f: {  	[sflag:s0] =	ssyncadd.s32 @!p0 s1  }
0x60: {  	[bflag:$0x3] =	sbarrier.arrive $0xFFFF  }
0x61: {  	_ =	shalt  }

</sc_bundles>
